<compile_context>
chip_gen: v7x
topology: tpu7x:2x2x1
jax: 0.10.2.dev20260603
libtpu: 0.0.44.dev20260713+nightly
codegen_flags: <defaults>
</compile_context>

<pallas_src>
import functools

import jax
import jax.numpy as jnp
import numpy as np
from jax import lax
from jax.experimental import pallas as pl
from jax.experimental.pallas import tpu as pltpu
from jax.experimental.pallas import tpu_sc as plsc

BASE_AMP = 0.08


def _anchor_starts_np(signal_len, num_segments, seg_length):
    max_start = max(signal_len - seg_length, 0)
    head = 0.1 * signal_len
    tail = max(0.0, 0.78 * signal_len)
    anchors = np.linspace(head, tail, num_segments)
    return np.clip(np.round(anchors), 0, max_start).astype(np.int64)


def _row_kernel(pi_ref, pq_ref, scale_ref, row_ref, *, starts, seg_length,
                signal_len):
    pi = jnp.tanh(pi_ref[0, :])
    pq = jnp.tanh(pq_ref[0, :])
    row_ref[...] = jnp.zeros((2, signal_len), dtype=jnp.float32)
    for k, s in enumerate(starts):
        sc = jax.nn.relu(scale_ref[k])
        row_ref[0, pl.ds(s, seg_length)] = sc * pi
        row_ref[1, pl.ds(s, seg_length)] = sc * pq


def _build_row(pattern_i, pattern_q, segment_scale, starts, signal_len):
    seg_length = pattern_i.shape[0]
    return pl.pallas_call(
        functools.partial(_row_kernel, starts=starts, seg_length=seg_length,
                          signal_len=signal_len),
        in_specs=[
            pl.BlockSpec((1, seg_length), lambda: (0, 0)),
            pl.BlockSpec((1, seg_length), lambda: (0, 0)),
            pl.BlockSpec(memory_space=pltpu.SMEM),
        ],
        out_specs=pl.BlockSpec((2, signal_len), lambda: (0, 0)),
        out_shape=jax.ShapeDtypeStruct((2, signal_len), jnp.float32),
    )(pattern_i[None, :], pattern_q[None, :], segment_scale)


def _tc_kernel(x_ref, row_ref, out_ref, *, inv_n):
    x0 = x_ref[:, 0, :]
    x1 = x_ref[:, 1, :]
    a = x0 * x0 + x1 * x1
    ss = jnp.sum(a, axis=1, keepdims=True)
    amp = BASE_AMP * jnp.sqrt(ss * inv_n + 1e-12)
    out_ref[...] = x_ref[...] + amp[:, :, None] * row_ref[...][None, :, :]


def _tc_part(x, row, n_tc, bb, inv_n):
    _, ch, signal_len = x.shape
    return pl.pallas_call(
        functools.partial(_tc_kernel, inv_n=inv_n),
        grid=(n_tc // bb,),
        in_specs=[
            pl.BlockSpec((bb, ch, signal_len), lambda i: (i, 0, 0)),
            pl.BlockSpec((ch, signal_len), lambda i: (0, 0)),
        ],
        out_specs=pl.BlockSpec((bb, ch, signal_len), lambda i: (i, 0, 0)),
        out_shape=jax.ShapeDtypeStruct((n_tc, ch, signal_len), jnp.float32),
    )(x, row)


def _sc_part(x, row, n_tc, n_sc, inv_n):
    batch, ch, signal_len = x.shape
    info = plsc.get_sparse_core_info()
    NC, NS, L = info.num_cores, info.num_subcores, info.num_lanes
    NW = NC * NS
    per_w = n_sc // NW
    n_chunks = signal_len // L
    mesh = plsc.VectorSubcoreMesh(core_axis_name="c", subcore_axis_name="s")

    @functools.partial(
        pl.kernel, mesh=mesh,
        out_type=jax.ShapeDtypeStruct((n_sc, ch, signal_len), jnp.float32),
        scratch_types=[
            pltpu.VMEM((ch, signal_len), jnp.float32),
            pltpu.VMEM((ch, signal_len), jnp.float32),
        ],
    )
    def sc_k(x_hbm, row_hbm, out_hbm, row_v, buf_v):
        wid = lax.axis_index("s") * NC + lax.axis_index("c")
        base = wid * per_w
        pltpu.sync_copy(row_hbm, row_v)

        def one_sample(j, carry):
            pltpu.sync_copy(x_hbm.at[n_tc + base + j], buf_v)

            def acc_body(i, acc):
                v0 = buf_v[0, pl.ds(i * L, L)]
                v1 = buf_v[1, pl.ds(i * L, L)]
                return acc + v0 * v0 + v1 * v1

            acc = lax.fori_loop(0, n_chunks, acc_body,
                                jnp.zeros((L,), jnp.float32))
            lanes = lax.iota(jnp.int32, L)
            dnums = lax.GatherDimensionNumbers(
                offset_dims=(), collapsed_slice_dims=(0,),
                start_index_map=(0,))
            for k in (1, 2, 4, 8):
                shuf = lax.gather(
                    acc, (lanes ^ k)[:, None], dnums, slice_sizes=(1,),
                    mode=lax.GatherScatterMode.PROMISE_IN_BOUNDS)
                acc = acc + shuf
            mv = acc * inv_n + 1e-12
            yi = jnp.full((L,), 0x5F3759DF, dtype=jnp.int32) - (
                lax.bitcast_convert_type(mv, jnp.int32) >> 1)
            y = lax.bitcast_convert_type(yi, jnp.float32)
            for _ in range(4):
                y = y * (1.5 - 0.5 * mv * y * y)
            amp = BASE_AMP * mv * y

            def add_body(i, carry2):
                sl = pl.ds(i * L, L)
                buf_v[0, sl] = buf_v[0, sl] + amp * row_v[0, sl]
                buf_v[1, sl] = buf_v[1, sl] + amp * row_v[1, sl]
                return carry2

            lax.fori_loop(0, n_chunks, add_body, 0)
            pltpu.sync_copy(buf_v, out_hbm.at[base + j])
            return carry

        lax.fori_loop(0, per_w, one_sample, 0)

    return sc_k(x, row)


def kernel(x, pattern_i, pattern_q, segment_scale):
    batch, ch, signal_len = x.shape
    seg_length = pattern_i.shape[0]
    num_segments = segment_scale.shape[0]
    starts = [int(s) for s in
              _anchor_starts_np(signal_len, num_segments, seg_length)]
    inv_n = 1.0 / (ch * signal_len)

    row = _build_row(pattern_i, pattern_q, segment_scale, starts, signal_len)

    n_sc = 160
    n_tc = batch - n_sc
    tc_out = _tc_part(x, row, n_tc, 96, inv_n)
    sc_out = _sc_part(x, row, n_tc, n_sc, inv_n)
    return jnp.concatenate([tc_out, sc_out], axis=0)

# --- scband reference (transcript-rebuilt; emitter-appended) ---
"""Pipeline reference for scband-learnable-sparse-trigger-16286515987242 (READ-ONLY COPY).

The authoritative reference and input builder live on the scoring server;
editing this copy changes nothing except your own understanding.
"""

import jax, jax.numpy as jnp
import numpy as np

TOTAL_LENGTH = 1024
NUM_SEGMENTS = 8
SEG_LENGTH = max(4, TOTAL_LENGTH // NUM_SEGMENTS)
FREQ = 8.0
BASE_AMP = 0.08


def _anchor_starts(signal_len, num_segments, seg_length):
    max_start = max(signal_len - seg_length, 0)
    head = 0.1 * signal_len
    tail = max(0.0, 0.78 * signal_len)
    anchors = np.linspace(head, tail, num_segments)
    starts = np.clip(np.round(anchors), 0, max_start).astype(np.int64)
    return starts


def setup_inputs(seed: int = 0) -> dict:
    key = jax.random.key(seed)
    batch, ch, signal_len = 1024, 2, 8192
    x = jax.random.normal(key, (batch, ch, signal_len), dtype=jnp.float32)
    t = np.arange(SEG_LENGTH, dtype=np.float32)
    phase = 2.0 * np.pi * FREQ * t / max(SEG_LENGTH, 1)
    pattern_i = jnp.asarray(np.sin(phase), dtype=jnp.float32)
    pattern_q = jnp.asarray(np.cos(phase), dtype=jnp.float32)  # iq_mode='quadrature'
    segment_scale = jnp.ones((NUM_SEGMENTS,), dtype=jnp.float32)
    return {"x": x, "pattern_i": pattern_i, "pattern_q": pattern_q, "segment_scale": segment_scale}


def reference(x, pattern_i, pattern_q, segment_scale):
    batch, _, signal_len = x.shape
    seg_length = pattern_i.shape[0]
    num_segments = segment_scale.shape[0]
    # position_mode='anchor' (not random_shift/energy_adaptive/hybrid), global_shift=0 -> deterministic anchor starts
    starts = _anchor_starts(signal_len, num_segments, seg_length)
    pat_i = jnp.tanh(pattern_i)
    pat_q = jnp.tanh(pattern_q)
    scales = jax.nn.relu(segment_scale)
    # adaptive_amp=True: amp = base_amp * signal RMS per sample
    rms = jnp.sqrt(jnp.mean(x ** 2, axis=(1, 2), keepdims=True) + 1e-12)
    amp = BASE_AMP * rms  # (B,1,1)
    out = x
    for seg_idx in range(num_segments):
        s = int(starts[seg_idx])
        e = min(s + seg_length, signal_len)
        L = e - s
        scale = (amp[:, 0, 0] * scales[seg_idx])[:, None]  # (B,1)
        out = out.at[:, 0, s:e].add(scale * pat_i[None, :L])
        out = out.at[:, 1, s:e].add(scale * pat_q[None, :L])
    return out

if __name__ == "__main__":
    import jax
    _d = setup_inputs()
    print(jax.jit(kernel)(*tuple(_d.values())))

</pallas_src>

<mosaic_0001>
#map = affine_map<(d0, d1) -> (0, 0, 0)>
#map1 = affine_map<(d0, d1) -> (0, 0)>
module attributes {stable_mosaic.version = 14 : i64} {
  func.func @sc_k(%arg0: i32, %arg1: i32, %arg2: memref<1024x2x8192xf32, #tpu.memory_space<hbm>>, %arg3: memref<2x8192xf32, #tpu.memory_space<hbm>>, %arg4: memref<160x2x8192xf32, #tpu.memory_space<hbm>>, %arg5: memref<2x8192xf32, #tpu.memory_space<vmem>>, %arg6: memref<2x8192xf32, #tpu.memory_space<vmem>>) attributes {dimension_semantics = [#tpu.dimension_semantics<core_parallel>, #tpu.dimension_semantics<subcore_parallel>], iteration_bounds = array<i64: 2, 16>, scalar_prefetch = 0 : i64, scratch_operands = 2 : i64, tpu.core_type = #tpu.core_type<sc_vector_subcore>, window_params = [{transform_indices = #map}, {transform_indices = #map1}, {transform_indices = #map}]} {
    %mul3A = arith.constant 2 : i32
    %mul3A_0 = arith.muli %arg1, %mul3A : i32
    %add3A = arith.addi %mul3A_0, %arg0 : i32
    %mul3A_1 = arith.constant 5 : i32
    %mul3A_2 = arith.muli %add3A, %mul3A_1 : i32
    "tpu.region"() ({
      %run_scoped3A = tpu.sem_alloc : memref<!tpu.dma_semaphore, #tpu.memory_space<semaphore_mem>>
      tpu.enqueue_dma source(%arg3 : memref<2x8192xf32, #tpu.memory_space<hbm>>) target(%arg5 : memref<2x8192xf32, #tpu.memory_space<vmem>>) target_semaphore(%run_scoped3A : memref<!tpu.dma_semaphore, #tpu.memory_space<semaphore_mem>>)
      tpu.wait_dma2 semaphore(%run_scoped3A : memref<!tpu.dma_semaphore, #tpu.memory_space<semaphore_mem>>) src(%arg3 : memref<2x8192xf32, #tpu.memory_space<hbm>>) dst(%arg5 : memref<2x8192xf32, #tpu.memory_space<vmem>>)
      tpu.yield
    }) : () -> ()
    %scan3A = arith.constant 0 : i32
    %scan3A_3 = arith.constant 0 : i32
    %scan3A_4 = arith.constant 5 : i32
    %scan3A_5 = arith.addi %scan3A_3, %scan3A_4 : i32
    %scan3A_6 = arith.constant 1 : i32
    scf.for %scan3A_8 = %scan3A_3 to %scan3A_5 step %scan3A_6  : i32 {
      %add3A_9 = arith.constant 864 : i32
      %add3A_10 = arith.addi %add3A_9, %mul3A_2 : i32
      %add3A_11 = arith.addi %add3A_10, %scan3A_8 : i32
      "tpu.region"() ({
        %run_scoped3A = tpu.sem_alloc : memref<!tpu.dma_semaphore, #tpu.memory_space<semaphore_mem>>
        %dma_start3A = arith.constant 0 : i32
        %dma_start3A_103 = arith.constant 0 : i32
        %dma_start3A_104 = tpu.memref_slice %arg2[%add3A_11, %dma_start3A, %dma_start3A_103] : memref<1024x2x8192xf32, #tpu.memory_space<hbm>> -> memref<1x2x8192xf32, #tpu.memory_space<hbm>>
        %dma_start3A_105 = tpu.memref_squeeze %dma_start3A_104 : memref<1x2x8192xf32, #tpu.memory_space<hbm>> -> memref<2x8192xf32, #tpu.memory_space<hbm>>
        %dma_start3A_106 = arith.constant 0 : i32
        %dma_start3A_107 = arith.constant 0 : i32
        %dma_start3A_108 = tpu.memref_slice %arg2[%add3A_11, %dma_start3A_106, %dma_start3A_107] : memref<1024x2x8192xf32, #tpu.memory_space<hbm>> -> memref<1x2x8192xf32, #tpu.memory_space<hbm>>
        %dma_start3A_109 = tpu.memref_squeeze %dma_start3A_108 : memref<1x2x8192xf32, #tpu.memory_space<hbm>> -> memref<2x8192xf32, #tpu.memory_space<hbm>>
        tpu.enqueue_dma source(%dma_start3A_109 : memref<2x8192xf32, #tpu.memory_space<hbm>>) target(%arg6 : memref<2x8192xf32, #tpu.memory_space<vmem>>) target_semaphore(%run_scoped3A : memref<!tpu.dma_semaphore, #tpu.memory_space<semaphore_mem>>)
        %dma_wait3A = arith.constant 0 : i32
        %dma_wait3A_110 = arith.constant 0 : i32
        %dma_wait3A_111 = tpu.memref_slice %arg2[%add3A_11, %dma_wait3A, %dma_wait3A_110] : memref<1024x2x8192xf32, #tpu.memory_space<hbm>> -> memref<1x2x8192xf32, #tpu.memory_space<hbm>>
        %dma_wait3A_112 = tpu.memref_squeeze %dma_wait3A_111 : memref<1x2x8192xf32, #tpu.memory_space<hbm>> -> memref<2x8192xf32, #tpu.memory_space<hbm>>
        %dma_wait3A_113 = arith.constant 0 : i32
        %dma_wait3A_114 = arith.constant 0 : i32
        %dma_wait3A_115 = tpu.memref_slice %arg2[%add3A_11, %dma_wait3A_113, %dma_wait3A_114] : memref<1024x2x8192xf32, #tpu.memory_space<hbm>> -> memref<1x2x8192xf32, #tpu.memory_space<hbm>>
        %dma_wait3A_116 = tpu.memref_squeeze %dma_wait3A_115 : memref<1x2x8192xf32, #tpu.memory_space<hbm>> -> memref<2x8192xf32, #tpu.memory_space<hbm>>
        tpu.wait_dma2 semaphore(%run_scoped3A : memref<!tpu.dma_semaphore, #tpu.memory_space<semaphore_mem>>) src(%dma_wait3A_116 : memref<2x8192xf32, #tpu.memory_space<hbm>>) dst(%arg6 : memref<2x8192xf32, #tpu.memory_space<vmem>>)
        tpu.yield
      }) : () -> ()
      %broadcast_in_dim3A = arith.constant 0.000000e+00 : f32
      %broadcast_in_dim3A_12 = vector.broadcast %broadcast_in_dim3A : f32 to vector<16xf32>
      %scan3A_13 = arith.constant 0 : i32
      %scan3A_14 = arith.constant 512 : i32
      %scan3A_15 = arith.addi %scan3A_13, %scan3A_14 : i32
      %scan3A_16 = arith.constant 1 : i32
      %scan3A_17 = scf.for %scan3A_103 = %scan3A_13 to %scan3A_15 step %scan3A_16 iter_args(%scan3A_104 = %broadcast_in_dim3A_12) -> (vector<16xf32>)  : i32 {
        %mul3A_105 = arith.constant 16 : i32
        %mul3A_106 = arith.muli %scan3A_103, %mul3A_105 : i32
        %get3A = arith.constant 0 : i32
        %get3A_107 = arith.index_cast %get3A : i32 to index
        %get3A_108 = arith.index_cast %mul3A_106 : i32 to index
        %get3A_109 = tpu.vector_load %arg6[%get3A_107, %get3A_108] {strides = array<i32>} : memref<2x8192xf32, #tpu.memory_space<vmem>>, vector<1x16xf32>,
        %get3A_110 = vector.shape_cast %get3A_109 : vector<1x16xf32> to vector<16xf32>
        %mul3A_111 = arith.constant 16 : i32
        %mul3A_112 = arith.muli %scan3A_103, %mul3A_111 : i32
        %get3A_113 = arith.constant 1 : i32
        %get3A_114 = arith.index_cast %get3A_113 : i32 to index
        %get3A_115 = arith.index_cast %mul3A_112 : i32 to index
        %get3A_116 = tpu.vector_load %arg6[%get3A_114, %get3A_115] {strides = array<i32>} : memref<2x8192xf32, #tpu.memory_space<vmem>>, vector<1x16xf32>,
        %get3A_117 = vector.shape_cast %get3A_116 : vector<1x16xf32> to vector<16xf32>
        %mul3A_118 = arith.mulf %get3A_110, %get3A_110 : vector<16xf32>
        %add3A_119 = arith.addf %scan3A_104, %mul3A_118 : vector<16xf32>
        %mul3A_120 = arith.mulf %get3A_117, %get3A_117 : vector<16xf32>
        %add3A_121 = arith.addf %add3A_119, %mul3A_120 : vector<16xf32>
        scf.yield %add3A_121 : vector<16xf32>
      }
      %scan3A_18 = arith.constant 512 : i32
      %iota3A = tpu.iota {dimensions = array<i32: 0>} : vector<16xi32>
      %xor3A = arith.constant 1 : i32
      %xor3A_19 = vector.broadcast %xor3A : i32 to vector<16xi32>
      %xor3A_20 = arith.xori %iota3A, %xor3A_19 : vector<16xi32>
      %broadcast_in_dim3A_21 = vector.shape_cast %xor3A_20 : vector<16xi32> to vector<16x1xi32>
      %gather3A = vector.shape_cast %broadcast_in_dim3A_21 : vector<16x1xi32> to vector<16xi32>
      %gather3A_22 = tpu.dynamic_gather %scan3A_17[%gather3A] in [0] : vector<16xf32>, vector<16xi32> -> vector<16xf32>
      %add3A_23 = arith.addf %scan3A_17, %gather3A_22 : vector<16xf32>
      %xor3A_24 = arith.constant 2 : i32
      %xor3A_25 = vector.broadcast %xor3A_24 : i32 to vector<16xi32>
      %xor3A_26 = arith.xori %iota3A, %xor3A_25 : vector<16xi32>
      %broadcast_in_dim3A_27 = vector.shape_cast %xor3A_26 : vector<16xi32> to vector<16x1xi32>
      %gather3A_28 = vector.shape_cast %broadcast_in_dim3A_27 : vector<16x1xi32> to vector<16xi32>
      %gather3A_29 = tpu.dynamic_gather %add3A_23[%gather3A_28] in [0] : vector<16xf32>, vector<16xi32> -> vector<16xf32>
      %add3A_30 = arith.addf %add3A_23, %gather3A_29 : vector<16xf32>
      %xor3A_31 = arith.constant 4 : i32
      %xor3A_32 = vector.broadcast %xor3A_31 : i32 to vector<16xi32>
      %xor3A_33 = arith.xori %iota3A, %xor3A_32 : vector<16xi32>
      %broadcast_in_dim3A_34 = vector.shape_cast %xor3A_33 : vector<16xi32> to vector<16x1xi32>
      %gather3A_35 = vector.shape_cast %broadcast_in_dim3A_34 : vector<16x1xi32> to vector<16xi32>
      %gather3A_36 = tpu.dynamic_gather %add3A_30[%gather3A_35] in [0] : vector<16xf32>, vector<16xi32> -> vector<16xf32>
      %add3A_37 = arith.addf %add3A_30, %gather3A_36 : vector<16xf32>
      %xor3A_38 = arith.constant 8 : i32
      %xor3A_39 = vector.broadcast %xor3A_38 : i32 to vector<16xi32>
      %xor3A_40 = arith.xori %iota3A, %xor3A_39 : vector<16xi32>
      %broadcast_in_dim3A_41 = vector.shape_cast %xor3A_40 : vector<16xi32> to vector<16x1xi32>
      %gather3A_42 = vector.shape_cast %broadcast_in_dim3A_41 : vector<16x1xi32> to vector<16xi32>
      %gather3A_43 = tpu.dynamic_gather %add3A_37[%gather3A_42] in [0] : vector<16xf32>, vector<16xi32> -> vector<16xf32>
      %add3A_44 = arith.addf %add3A_37, %gather3A_43 : vector<16xf32>
      %mul3A_45 = arith.constant 6.10351563E-5 : f32
      %mul3A_46 = vector.broadcast %mul3A_45 : f32 to vector<16xf32>
      %mul3A_47 = arith.mulf %add3A_44, %mul3A_46 : vector<16xf32>
      %add3A_48 = arith.constant 9.99999996E-13 : f32
      %add3A_49 = vector.broadcast %add3A_48 : f32 to vector<16xf32>
      %add3A_50 = arith.addf %mul3A_47, %add3A_49 : vector<16xf32>
      %broadcast_in_dim3A_51 = arith.constant 1597463007 : i32
      %broadcast_in_dim3A_52 = vector.broadcast %broadcast_in_dim3A_51 : i32 to vector<16xi32>
      %bitcast_convert_type3A = tpu.bitcast %add3A_50 : vector<16xf32> -> vector<16xi32>
      %shift_right_arithmetic3A = arith.constant 1 : i32
      %shift_right_arithmetic3A_53 = vector.broadcast %shift_right_arithmetic3A : i32 to vector<16xi32>
      %shift_right_arithmetic3A_54 = arith.shrsi %bitcast_convert_type3A, %shift_right_arithmetic3A_53 : vector<16xi32>
      %sub3A = arith.subi %broadcast_in_dim3A_52, %shift_right_arithmetic3A_54 : vector<16xi32>
      %bitcast_convert_type3A_55 = tpu.bitcast %sub3A : vector<16xi32> -> vector<16xf32>
      %mul3A_56 = arith.constant 5.000000e-01 : f32
      %mul3A_57 = vector.broadcast %mul3A_56 : f32 to vector<16xf32>
      %mul3A_58 = arith.mulf %mul3A_57, %add3A_50 : vector<16xf32>
      %mul3A_59 = arith.mulf %mul3A_58, %bitcast_convert_type3A_55 : vector<16xf32>
      %mul3A_60 = arith.mulf %mul3A_59, %bitcast_convert_type3A_55 : vector<16xf32>
      %sub3A_61 = arith.constant 1.500000e+00 : f32
      %sub3A_62 = vector.broadcast %sub3A_61 : f32 to vector<16xf32>
      %sub3A_63 = arith.subf %sub3A_62, %mul3A_60 : vector<16xf32>
      %mul3A_64 = arith.mulf %bitcast_convert_type3A_55, %sub3A_63 : vector<16xf32>
      %mul3A_65 = arith.constant 5.000000e-01 : f32
      %mul3A_66 = vector.broadcast %mul3A_65 : f32 to vector<16xf32>
      %mul3A_67 = arith.mulf %mul3A_66, %add3A_50 : vector<16xf32>
      %mul3A_68 = arith.mulf %mul3A_67, %mul3A_64 : vector<16xf32>
      %mul3A_69 = arith.mulf %mul3A_68, %mul3A_64 : vector<16xf32>
      %sub3A_70 = arith.constant 1.500000e+00 : f32
      %sub3A_71 = vector.broadcast %sub3A_70 : f32 to vector<16xf32>
      %sub3A_72 = arith.subf %sub3A_71, %mul3A_69 : vector<16xf32>
      %mul3A_73 = arith.mulf %mul3A_64, %sub3A_72 : vector<16xf32>
      %mul3A_74 = arith.constant 5.000000e-01 : f32
      %mul3A_75 = vector.broadcast %mul3A_74 : f32 to vector<16xf32>
      %mul3A_76 = arith.mulf %mul3A_75, %add3A_50 : vector<16xf32>
      %mul3A_77 = arith.mulf %mul3A_76, %mul3A_73 : vector<16xf32>
      %mul3A_78 = arith.mulf %mul3A_77, %mul3A_73 : vector<16xf32>
      %sub3A_79 = arith.constant 1.500000e+00 : f32
      %sub3A_80 = vector.broadcast %sub3A_79 : f32 to vector<16xf32>
      %sub3A_81 = arith.subf %sub3A_80, %mul3A_78 : vector<16xf32>
      %mul3A_82 = arith.mulf %mul3A_73, %sub3A_81 : vector<16xf32>
      %mul3A_83 = arith.constant 5.000000e-01 : f32
      %mul3A_84 = vector.broadcast %mul3A_83 : f32 to vector<16xf32>
      %mul3A_85 = arith.mulf %mul3A_84, %add3A_50 : vector<16xf32>
      %mul3A_86 = arith.mulf %mul3A_85, %mul3A_82 : vector<16xf32>
      %mul3A_87 = arith.mulf %mul3A_86, %mul3A_82 : vector<16xf32>
      %sub3A_88 = arith.constant 1.500000e+00 : f32
      %sub3A_89 = vector.broadcast %sub3A_88 : f32 to vector<16xf32>
      %sub3A_90 = arith.subf %sub3A_89, %mul3A_87 : vector<16xf32>
      %mul3A_91 = arith.mulf %mul3A_82, %sub3A_90 : vector<16xf32>
      %mul3A_92 = arith.constant 8.000000e-02 : f32
      %mul3A_93 = vector.broadcast %mul3A_92 : f32 to vector<16xf32>
      %mul3A_94 = arith.mulf %mul3A_93, %add3A_50 : vector<16xf32>
      %mul3A_95 = arith.mulf %mul3A_94, %mul3A_91 : vector<16xf32>
      %scan3A_96 = arith.constant 0 : i32
      %scan3A_97 = arith.constant 0 : i32
      %scan3A_98 = arith.constant 512 : i32
      %scan3A_99 = arith.addi %scan3A_97, %scan3A_98 : i32
      %scan3A_100 = arith.constant 1 : i32
      scf.for %scan3A_103 = %scan3A_97 to %scan3A_99 step %scan3A_100  : i32 {
        %mul3A_104 = arith.constant 16 : i32
        %mul3A_105 = arith.muli %scan3A_103, %mul3A_104 : i32
        %get3A = arith.constant 0 : i32
        %get3A_106 = arith.index_cast %get3A : i32 to index
        %get3A_107 = arith.index_cast %mul3A_105 : i32 to index
        %get3A_108 = tpu.vector_load %arg6[%get3A_106, %get3A_107] {strides = array<i32>} : memref<2x8192xf32, #tpu.memory_space<vmem>>, vector<1x16xf32>,
        %get3A_109 = vector.shape_cast %get3A_108 : vector<1x16xf32> to vector<16xf32>
        %get3A_110 = arith.constant 0 : i32
        %get3A_111 = arith.index_cast %get3A_110 : i32 to index
        %get3A_112 = arith.index_cast %mul3A_105 : i32 to index
        %get3A_113 = tpu.vector_load %arg5[%get3A_111, %get3A_112] {strides = array<i32>} : memref<2x8192xf32, #tpu.memory_space<vmem>>, vector<1x16xf32>,
        %get3A_114 = vector.shape_cast %get3A_113 : vector<1x16xf32> to vector<16xf32>
        %mul3A_115 = arith.mulf %mul3A_95, %get3A_114 : vector<16xf32>
        %add3A_116 = arith.addf %get3A_109, %mul3A_115 : vector<16xf32>
        %swap3A = arith.constant 0 : i32
        %swap3A_117 = arith.index_cast %swap3A : i32 to index
        %swap3A_118 = arith.index_cast %mul3A_105 : i32 to index
        %swap3A_119 = tpu.vector_load %arg6[%swap3A_117, %swap3A_118] {strides = array<i32>} : memref<2x8192xf32, #tpu.memory_space<vmem>>, vector<1x16xf32>,
        %swap3A_120 = vector.shape_cast %swap3A_119 : vector<1x16xf32> to vector<16xf32>
        %swap3A_121 = vector.shape_cast %add3A_116 : vector<16xf32> to vector<1x16xf32>
        tpu.vector_store %arg6[%swap3A_117, %swap3A_118], %swap3A_121 {strides = array<i32>} : memref<2x8192xf32, #tpu.memory_space<vmem>>, vector<1x16xf32>,
        %get3A_122 = arith.constant 1 : i32
        %get3A_123 = arith.index_cast %get3A_122 : i32 to index
        %get3A_124 = arith.index_cast %mul3A_105 : i32 to index
        %get3A_125 = tpu.vector_load %arg6[%get3A_123, %get3A_124] {strides = array<i32>} : memref<2x8192xf32, #tpu.memory_space<vmem>>, vector<1x16xf32>,
        %get3A_126 = vector.shape_cast %get3A_125 : vector<1x16xf32> to vector<16xf32>
        %get3A_127 = arith.constant 1 : i32
        %get3A_128 = arith.index_cast %get3A_127 : i32 to index
        %get3A_129 = arith.index_cast %mul3A_105 : i32 to index
        %get3A_130 = tpu.vector_load %arg5[%get3A_128, %get3A_129] {strides = array<i32>} : memref<2x8192xf32, #tpu.memory_space<vmem>>, vector<1x16xf32>,
        %get3A_131 = vector.shape_cast %get3A_130 : vector<1x16xf32> to vector<16xf32>
        %mul3A_132 = arith.mulf %mul3A_95, %get3A_131 : vector<16xf32>
        %add3A_133 = arith.addf %get3A_126, %mul3A_132 : vector<16xf32>
        %swap3A_134 = arith.constant 1 : i32
        %swap3A_135 = arith.index_cast %swap3A_134 : i32 to index
        %swap3A_136 = arith.index_cast %mul3A_105 : i32 to index
        %swap3A_137 = tpu.vector_load %arg6[%swap3A_135, %swap3A_136] {strides = array<i32>} : memref<2x8192xf32, #tpu.memory_space<vmem>>, vector<1x16xf32>,
        %swap3A_138 = vector.shape_cast %swap3A_137 : vector<1x16xf32> to vector<16xf32>
        %swap3A_139 = vector.shape_cast %add3A_133 : vector<16xf32> to vector<1x16xf32>
        tpu.vector_store %arg6[%swap3A_135, %swap3A_136], %swap3A_139 {strides = array<i32>} : memref<2x8192xf32, #tpu.memory_space<vmem>>, vector<1x16xf32>,
      }
      %scan3A_101 = arith.constant 512 : i32
      %add3A_102 = arith.addi %mul3A_2, %scan3A_8 : i32
      "tpu.region"() ({
        %run_scoped3A = tpu.sem_alloc : memref<!tpu.dma_semaphore, #tpu.memory_space<semaphore_mem>>
        %dma_start3A = arith.constant 0 : i32
        %dma_start3A_103 = arith.constant 0 : i32
        %dma_start3A_104 = tpu.memref_slice %arg4[%add3A_102, %dma_start3A, %dma_start3A_103] : memref<160x2x8192xf32, #tpu.memory_space<hbm>> -> memref<1x2x8192xf32, #tpu.memory_space<hbm>>
        %dma_start3A_105 = tpu.memref_squeeze %dma_start3A_104 : memref<1x2x8192xf32, #tpu.memory_space<hbm>> -> memref<2x8192xf32, #tpu.memory_space<hbm>>
        %dma_start3A_106 = arith.constant 0 : i32
        %dma_start3A_107 = arith.constant 0 : i32
        %dma_start3A_108 = tpu.memref_slice %arg4[%add3A_102, %dma_start3A_106, %dma_start3A_107] : memref<160x2x8192xf32, #tpu.memory_space<hbm>> -> memref<1x2x8192xf32, #tpu.memory_space<hbm>>
        %dma_start3A_109 = tpu.memref_squeeze %dma_start3A_108 : memref<1x2x8192xf32, #tpu.memory_space<hbm>> -> memref<2x8192xf32, #tpu.memory_space<hbm>>
        tpu.enqueue_dma source(%arg6 : memref<2x8192xf32, #tpu.memory_space<vmem>>) target(%dma_start3A_109 : memref<2x8192xf32, #tpu.memory_space<hbm>>) target_semaphore(%run_scoped3A : memref<!tpu.dma_semaphore, #tpu.memory_space<semaphore_mem>>)
        %dma_wait3A = arith.constant 0 : i32
        %dma_wait3A_110 = arith.constant 0 : i32
        %dma_wait3A_111 = tpu.memref_slice %arg4[%add3A_102, %dma_wait3A, %dma_wait3A_110] : memref<160x2x8192xf32, #tpu.memory_space<hbm>> -> memref<1x2x8192xf32, #tpu.memory_space<hbm>>
        %dma_wait3A_112 = tpu.memref_squeeze %dma_wait3A_111 : memref<1x2x8192xf32, #tpu.memory_space<hbm>> -> memref<2x8192xf32, #tpu.memory_space<hbm>>
        %dma_wait3A_113 = arith.constant 0 : i32
        %dma_wait3A_114 = arith.constant 0 : i32
        %dma_wait3A_115 = tpu.memref_slice %arg4[%add3A_102, %dma_wait3A_113, %dma_wait3A_114] : memref<160x2x8192xf32, #tpu.memory_space<hbm>> -> memref<1x2x8192xf32, #tpu.memory_space<hbm>>
        %dma_wait3A_116 = tpu.memref_squeeze %dma_wait3A_115 : memref<1x2x8192xf32, #tpu.memory_space<hbm>> -> memref<2x8192xf32, #tpu.memory_space<hbm>>
        tpu.wait_dma2 semaphore(%run_scoped3A : memref<!tpu.dma_semaphore, #tpu.memory_space<semaphore_mem>>) src(%arg6 : memref<2x8192xf32, #tpu.memory_space<vmem>>) dst(%dma_wait3A_116 : memref<2x8192xf32, #tpu.memory_space<hbm>>)
        tpu.yield
      }) : () -> ()
    }
    %scan3A_7 = arith.constant 5 : i32
    return
  }
}

module attributes {stable_mosaic.version = 14 : i64} {
  func.func @_tc_kernel(%arg0: i32, %arg1: memref<96x2x8192xf32, #tpu.memory_space<vmem>>, %arg2: memref<2x8192xf32, #tpu.memory_space<vmem>>, %arg3: memref<96x2x8192xf32, #tpu.memory_space<vmem>>) attributes {dimension_semantics = [#tpu.dimension_semantics<arbitrary>], iteration_bounds = array<i64: 9>, scalar_prefetch = 0 : i64, scratch_operands = 0 : i64, tpu.core_type = #tpu.core_type<tc>, window_params = [{transform_indices = @transform_0, window_bounds = array<i64: 96, 2, 8192>}, {pipeline_mode = #tpu.pipeline_mode<synchronous>, transform_indices = @transform_1, window_bounds = array<i64: 2, 8192>}, {transform_indices = @transform_2, window_bounds = array<i64: 96, 2, 8192>}]} {
    %get3A = arith.constant 0 : index
    %get3A_0 = arith.constant 0 : index
    %get3A_1 = arith.constant 0 : index
    %get3A_2 = vector.load %arg1[%get3A, %get3A_0, %get3A_1] : memref<96x2x8192xf32, #tpu.memory_space<vmem>>, vector<96x1x8192xf32>
    %get3A_3 = vector.shape_cast %get3A_2 : vector<96x1x8192xf32> to vector<96x8192xf32>
    %get3A_4 = arith.constant 0 : index
    %get3A_5 = arith.constant 1 : index
    %get3A_6 = arith.constant 0 : index
    %get3A_7 = vector.load %arg1[%get3A_4, %get3A_5, %get3A_6] : memref<96x2x8192xf32, #tpu.memory_space<vmem>>, vector<96x1x8192xf32>
    %get3A_8 = vector.shape_cast %get3A_7 : vector<96x1x8192xf32> to vector<96x8192xf32>
    %mul3A = arith.mulf %get3A_3, %get3A_3 : vector<96x8192xf32>
    %mul3A_9 = arith.mulf %get3A_8, %get3A_8 : vector<96x8192xf32>
    %add3A = arith.addf %mul3A, %mul3A_9 : vector<96x8192xf32>
    %reduce_sum3A = arith.constant dense<0.000000e+00> : vector<96xf32>
    %reduce_sum3A_10 = vector.multi_reduction <add>, %add3A, %reduce_sum3A [1] : vector<96x8192xf32> to vector<96xf32>
    %broadcast_in_dim3A = vector.shape_cast %reduce_sum3A_10 : vector<96xf32> to vector<96x1xf32>
    %mul3A_11 = arith.constant 6.10351563E-5 : f32
    %mul3A_12 = vector.broadcast %mul3A_11 : f32 to vector<96x1xf32>
    %mul3A_13 = arith.mulf %broadcast_in_dim3A, %mul3A_12 : vector<96x1xf32>
    %add3A_14 = arith.constant 9.99999996E-13 : f32
    %add3A_15 = vector.broadcast %add3A_14 : f32 to vector<96x1xf32>
    %add3A_16 = arith.addf %mul3A_13, %add3A_15 : vector<96x1xf32>
    %sqrt3A = math.sqrt %add3A_16 : vector<96x1xf32>
    %mul3A_17 = arith.constant 8.000000e-02 : f32
    %mul3A_18 = vector.broadcast %mul3A_17 : f32 to vector<96x1xf32>
    %mul3A_19 = arith.mulf %mul3A_18, %sqrt3A : vector<96x1xf32>
    %get3A_20 = arith.constant 0 : index
    %get3A_21 = arith.constant 0 : index
    %get3A_22 = arith.constant 0 : index
    %get3A_23 = vector.load %arg1[%get3A_20, %get3A_21, %get3A_22] : memref<96x2x8192xf32, #tpu.memory_space<vmem>>, vector<96x2x8192xf32>
    %broadcast_in_dim3A_24 = vector.shape_cast %mul3A_19 : vector<96x1xf32> to vector<96x1x1xf32>
    %get3A_25 = arith.constant 0 : index
    %get3A_26 = arith.constant 0 : index
    %get3A_27 = vector.load %arg2[%get3A_25, %get3A_26] : memref<2x8192xf32, #tpu.memory_space<vmem>>, vector<2x8192xf32>
    %broadcast_in_dim3A_28 = vector.shape_cast %get3A_27 : vector<2x8192xf32> to vector<1x2x8192xf32>
    %mul3A_29 = vector.broadcast %broadcast_in_dim3A_24 : vector<96x1x1xf32> to vector<96x2x8192xf32>
    %mul3A_30 = vector.broadcast %broadcast_in_dim3A_28 : vector<1x2x8192xf32> to vector<96x2x8192xf32>
    %mul3A_31 = arith.mulf %mul3A_29, %mul3A_30 : vector<96x2x8192xf32>
    %add3A_32 = arith.addf %get3A_23, %mul3A_31 : vector<96x2x8192xf32>
    %swap3A = arith.constant 0 : index
    %swap3A_33 = arith.constant 0 : index
    %swap3A_34 = arith.constant 0 : index
    %swap3A_35 = vector.load %arg3[%swap3A, %swap3A_33, %swap3A_34] : memref<96x2x8192xf32, #tpu.memory_space<vmem>>, vector<96x2x8192xf32>
    tpu.vector_store %arg3[%swap3A, %swap3A_33, %swap3A_34], %add3A_32 {strides = array<i32>} : memref<96x2x8192xf32, #tpu.memory_space<vmem>>, vector<96x2x8192xf32>,
    return
  }
  func.func @transform_0(%arg0: i32) -> (i32, i32, i32) {
    %c0_i32 = arith.constant 0 : i32
    %c0_i32_0 = arith.constant 0 : i32
    %c0_i32_1 = arith.constant 0 : i32
    return %arg0, %c0_i32, %c0_i32_0 : i32, i32, i32
  }
  func.func @transform_1(%arg0: i32) -> (i32, i32) {
    %c0_i32 = arith.constant 0 : i32
    %c0_i32_0 = arith.constant 0 : i32
    %c0_i32_1 = arith.constant 0 : i32
    return %c0_i32, %c0_i32_0 : i32, i32
  }
  func.func @transform_2(%arg0: i32) -> (i32, i32, i32) {
    %c0_i32 = arith.constant 0 : i32
    %c0_i32_0 = arith.constant 0 : i32
    %c0_i32_1 = arith.constant 0 : i32
    return %arg0, %c0_i32, %c0_i32_0 : i32, i32, i32
  }
}

module attributes {stable_mosaic.version = 14 : i64} {
  func.func @_row_kernel(%arg0: memref<1x128xf32, #tpu.memory_space<vmem>>, %arg1: memref<1x128xf32, #tpu.memory_space<vmem>>, %arg2: memref<8xf32, #tpu.memory_space<smem>>, %arg3: memref<2x8192xf32, #tpu.memory_space<vmem>>) attributes {dimension_semantics = [], scalar_prefetch = 0 : i64, scratch_operands = 0 : i64, tpu.core_type = #tpu.core_type<tc>} {
    %get3A = arith.constant 0 : index
    %get3A_0 = arith.constant 0 : index
    %get3A_1 = vector.load %arg0[%get3A, %get3A_0] : memref<1x128xf32, #tpu.memory_space<vmem>>, vector<1x128xf32>
    %get3A_2 = vector.shape_cast %get3A_1 : vector<1x128xf32> to vector<128xf32>
    %tanh3A = math.tanh %get3A_2 : vector<128xf32>
    %get3A_3 = arith.constant 0 : index
    %get3A_4 = arith.constant 0 : index
    %get3A_5 = vector.load %arg1[%get3A_3, %get3A_4] : memref<1x128xf32, #tpu.memory_space<vmem>>, vector<1x128xf32>
    %get3A_6 = vector.shape_cast %get3A_5 : vector<1x128xf32> to vector<128xf32>
    %tanh3A_7 = math.tanh %get3A_6 : vector<128xf32>
    %broadcast_in_dim3A = arith.constant 0.000000e+00 : f32
    %broadcast_in_dim3A_8 = vector.broadcast %broadcast_in_dim3A : f32 to vector<2x8192xf32>
    %swap3A = arith.constant 0 : index
    %swap3A_9 = arith.constant 0 : index
    %swap3A_10 = vector.load %arg3[%swap3A, %swap3A_9] : memref<2x8192xf32, #tpu.memory_space<vmem>>, vector<2x8192xf32>
    tpu.vector_store %arg3[%swap3A, %swap3A_9], %broadcast_in_dim3A_8 {strides = array<i32>} : memref<2x8192xf32, #tpu.memory_space<vmem>>, vector<2x8192xf32>,
    %get3A_11 = arith.constant 0 : index
    %get3A_12 = memref.load %arg2[%get3A_11] : memref<8xf32, #tpu.memory_space<smem>>
    %max3A = arith.constant 0.000000e+00 : f32
    %max3A_13 = arith.maximumf %get3A_12, %max3A : f32
    %mul3A = vector.broadcast %max3A_13 : f32 to vector<128xf32>
    %mul3A_14 = arith.mulf %mul3A, %tanh3A : vector<128xf32>
    %swap3A_15 = arith.constant 0 : index
    %swap3A_16 = arith.constant 819 : index
    %swap3A_17 = vector.load %arg3[%swap3A_15, %swap3A_16] : memref<2x8192xf32, #tpu.memory_space<vmem>>, vector<1x128xf32>
    %swap3A_18 = vector.shape_cast %swap3A_17 : vector<1x128xf32> to vector<128xf32>
    %swap3A_19 = vector.shape_cast %mul3A_14 : vector<128xf32> to vector<1x128xf32>
    tpu.vector_store %arg3[%swap3A_15, %swap3A_16], %swap3A_19 {strides = array<i32>} : memref<2x8192xf32, #tpu.memory_space<vmem>>, vector<1x128xf32>,
    %mul3A_20 = vector.broadcast %max3A_13 : f32 to vector<128xf32>
    %mul3A_21 = arith.mulf %mul3A_20, %tanh3A_7 : vector<128xf32>
    %swap3A_22 = arith.constant 1 : index
    %swap3A_23 = arith.constant 819 : index
    %swap3A_24 = vector.load %arg3[%swap3A_22, %swap3A_23] : memref<2x8192xf32, #tpu.memory_space<vmem>>, vector<1x128xf32>
    %swap3A_25 = vector.shape_cast %swap3A_24 : vector<1x128xf32> to vector<128xf32>
    %swap3A_26 = vector.shape_cast %mul3A_21 : vector<128xf32> to vector<1x128xf32>
    tpu.vector_store %arg3[%swap3A_22, %swap3A_23], %swap3A_26 {strides = array<i32>} : memref<2x8192xf32, #tpu.memory_space<vmem>>, vector<1x128xf32>,
    %get3A_27 = arith.constant 1 : index
    %get3A_28 = memref.load %arg2[%get3A_27] : memref<8xf32, #tpu.memory_space<smem>>
    %max3A_29 = arith.constant 0.000000e+00 : f32
    %max3A_30 = arith.maximumf %get3A_28, %max3A_29 : f32
    %mul3A_31 = vector.broadcast %max3A_30 : f32 to vector<128xf32>
    %mul3A_32 = arith.mulf %mul3A_31, %tanh3A : vector<128xf32>
    %swap3A_33 = arith.constant 0 : index
    %swap3A_34 = arith.constant 1615 : index
    %swap3A_35 = vector.load %arg3[%swap3A_33, %swap3A_34] : memref<2x8192xf32, #tpu.memory_space<vmem>>, vector<1x128xf32>
    %swap3A_36 = vector.shape_cast %swap3A_35 : vector<1x128xf32> to vector<128xf32>
    %swap3A_37 = vector.shape_cast %mul3A_32 : vector<128xf32> to vector<1x128xf32>
    tpu.vector_store %arg3[%swap3A_33, %swap3A_34], %swap3A_37 {strides = array<i32>} : memref<2x8192xf32, #tpu.memory_space<vmem>>, vector<1x128xf32>,
    %mul3A_38 = vector.broadcast %max3A_30 : f32 to vector<128xf32>
    %mul3A_39 = arith.mulf %mul3A_38, %tanh3A_7 : vector<128xf32>
    %swap3A_40 = arith.constant 1 : index
    %swap3A_41 = arith.constant 1615 : index
    %swap3A_42 = vector.load %arg3[%swap3A_40, %swap3A_41] : memref<2x8192xf32, #tpu.memory_space<vmem>>, vector<1x128xf32>
    %swap3A_43 = vector.shape_cast %swap3A_42 : vector<1x128xf32> to vector<128xf32>
    %swap3A_44 = vector.shape_cast %mul3A_39 : vector<128xf32> to vector<1x128xf32>
    tpu.vector_store %arg3[%swap3A_40, %swap3A_41], %swap3A_44 {strides = array<i32>} : memref<2x8192xf32, #tpu.memory_space<vmem>>, vector<1x128xf32>,
    %get3A_45 = arith.constant 2 : index
    %get3A_46 = memref.load %arg2[%get3A_45] : memref<8xf32, #tpu.memory_space<smem>>
    %max3A_47 = arith.constant 0.000000e+00 : f32
    %max3A_48 = arith.maximumf %get3A_46, %max3A_47 : f32
    %mul3A_49 = vector.broadcast %max3A_48 : f32 to vector<128xf32>
    %mul3A_50 = arith.mulf %mul3A_49, %tanh3A : vector<128xf32>
    %swap3A_51 = arith.constant 0 : index
    %swap3A_52 = arith.constant 2411 : index
    %swap3A_53 = vector.load %arg3[%swap3A_51, %swap3A_52] : memref<2x8192xf32, #tpu.memory_space<vmem>>, vector<1x128xf32>
    %swap3A_54 = vector.shape_cast %swap3A_53 : vector<1x128xf32> to vector<128xf32>
    %swap3A_55 = vector.shape_cast %mul3A_50 : vector<128xf32> to vector<1x128xf32>
    tpu.vector_store %arg3[%swap3A_51, %swap3A_52], %swap3A_55 {strides = array<i32>} : memref<2x8192xf32, #tpu.memory_space<vmem>>, vector<1x128xf32>,
    %mul3A_56 = vector.broadcast %max3A_48 : f32 to vector<128xf32>
    %mul3A_57 = arith.mulf %mul3A_56, %tanh3A_7 : vector<128xf32>
    %swap3A_58 = arith.constant 1 : index
    %swap3A_59 = arith.constant 2411 : index
    %swap3A_60 = vector.load %arg3[%swap3A_58, %swap3A_59] : memref<2x8192xf32, #tpu.memory_space<vmem>>, vector<1x128xf32>
    %swap3A_61 = vector.shape_cast %swap3A_60 : vector<1x128xf32> to vector<128xf32>
    %swap3A_62 = vector.shape_cast %mul3A_57 : vector<128xf32> to vector<1x128xf32>
    tpu.vector_store %arg3[%swap3A_58, %swap3A_59], %swap3A_62 {strides = array<i32>} : memref<2x8192xf32, #tpu.memory_space<vmem>>, vector<1x128xf32>,
    %get3A_63 = arith.constant 3 : index
    %get3A_64 = memref.load %arg2[%get3A_63] : memref<8xf32, #tpu.memory_space<smem>>
    %max3A_65 = arith.constant 0.000000e+00 : f32
    %max3A_66 = arith.maximumf %get3A_64, %max3A_65 : f32
    %mul3A_67 = vector.broadcast %max3A_66 : f32 to vector<128xf32>
    %mul3A_68 = arith.mulf %mul3A_67, %tanh3A : vector<128xf32>
    %swap3A_69 = arith.constant 0 : index
    %swap3A_70 = arith.constant 3207 : index
    %swap3A_71 = vector.load %arg3[%swap3A_69, %swap3A_70] : memref<2x8192xf32, #tpu.memory_space<vmem>>, vector<1x128xf32>
    %swap3A_72 = vector.shape_cast %swap3A_71 : vector<1x128xf32> to vector<128xf32>
    %swap3A_73 = vector.shape_cast %mul3A_68 : vector<128xf32> to vector<1x128xf32>
    tpu.vector_store %arg3[%swap3A_69, %swap3A_70], %swap3A_73 {strides = array<i32>} : memref<2x8192xf32, #tpu.memory_space<vmem>>, vector<1x128xf32>,
    %mul3A_74 = vector.broadcast %max3A_66 : f32 to vector<128xf32>
    %mul3A_75 = arith.mulf %mul3A_74, %tanh3A_7 : vector<128xf32>
    %swap3A_76 = arith.constant 1 : index
    %swap3A_77 = arith.constant 3207 : index
    %swap3A_78 = vector.load %arg3[%swap3A_76, %swap3A_77] : memref<2x8192xf32, #tpu.memory_space<vmem>>, vector<1x128xf32>
    %swap3A_79 = vector.shape_cast %swap3A_78 : vector<1x128xf32> to vector<128xf32>
    %swap3A_80 = vector.shape_cast %mul3A_75 : vector<128xf32> to vector<1x128xf32>
    tpu.vector_store %arg3[%swap3A_76, %swap3A_77], %swap3A_80 {strides = array<i32>} : memref<2x8192xf32, #tpu.memory_space<vmem>>, vector<1x128xf32>,
    %get3A_81 = arith.constant 4 : index
    %get3A_82 = memref.load %arg2[%get3A_81] : memref<8xf32, #tpu.memory_space<smem>>
    %max3A_83 = arith.constant 0.000000e+00 : f32
    %max3A_84 = arith.maximumf %get3A_82, %max3A_83 : f32
    %mul3A_85 = vector.broadcast %max3A_84 : f32 to vector<128xf32>
    %mul3A_86 = arith.mulf %mul3A_85, %tanh3A : vector<128xf32>
    %swap3A_87 = arith.constant 0 : index
    %swap3A_88 = arith.constant 4002 : index
    %swap3A_89 = vector.load %arg3[%swap3A_87, %swap3A_88] : memref<2x8192xf32, #tpu.memory_space<vmem>>, vector<1x128xf32>
    %swap3A_90 = vector.shape_cast %swap3A_89 : vector<1x128xf32> to vector<128xf32>
    %swap3A_91 = vector.shape_cast %mul3A_86 : vector<128xf32> to vector<1x128xf32>
    tpu.vector_store %arg3[%swap3A_87, %swap3A_88], %swap3A_91 {strides = array<i32>} : memref<2x8192xf32, #tpu.memory_space<vmem>>, vector<1x128xf32>,
    %mul3A_92 = vector.broadcast %max3A_84 : f32 to vector<128xf32>
    %mul3A_93 = arith.mulf %mul3A_92, %tanh3A_7 : vector<128xf32>
    %swap3A_94 = arith.constant 1 : index
    %swap3A_95 = arith.constant 4002 : index
    %swap3A_96 = vector.load %arg3[%swap3A_94, %swap3A_95] : memref<2x8192xf32, #tpu.memory_space<vmem>>, vector<1x128xf32>
    %swap3A_97 = vector.shape_cast %swap3A_96 : vector<1x128xf32> to vector<128xf32>
    %swap3A_98 = vector.shape_cast %mul3A_93 : vector<128xf32> to vector<1x128xf32>
    tpu.vector_store %arg3[%swap3A_94, %swap3A_95], %swap3A_98 {strides = array<i32>} : memref<2x8192xf32, #tpu.memory_space<vmem>>, vector<1x128xf32>,
    %get3A_99 = arith.constant 5 : index
    %get3A_100 = memref.load %arg2[%get3A_99] : memref<8xf32, #tpu.memory_space<smem>>
    %max3A_101 = arith.constant 0.000000e+00 : f32
    %max3A_102 = arith.maximumf %get3A_100, %max3A_101 : f32
    %mul3A_103 = vector.broadcast %max3A_102 : f32 to vector<128xf32>
    %mul3A_104 = arith.mulf %mul3A_103, %tanh3A : vector<128xf32>
    %swap3A_105 = arith.constant 0 : index
    %swap3A_106 = arith.constant 4798 : index
    %swap3A_107 = vector.load %arg3[%swap3A_105, %swap3A_106] : memref<2x8192xf32, #tpu.memory_space<vmem>>, vector<1x128xf32>
    %swap3A_108 = vector.shape_cast %swap3A_107 : vector<1x128xf32> to vector<128xf32>
    %swap3A_109 = vector.shape_cast %mul3A_104 : vector<128xf32> to vector<1x128xf32>
    tpu.vector_store %arg3[%swap3A_105, %swap3A_106], %swap3A_109 {strides = array<i32>} : memref<2x8192xf32, #tpu.memory_space<vmem>>, vector<1x128xf32>,
    %mul3A_110 = vector.broadcast %max3A_102 : f32 to vector<128xf32>
    %mul3A_111 = arith.mulf %mul3A_110, %tanh3A_7 : vector<128xf32>
    %swap3A_112 = arith.constant 1 : index
    %swap3A_113 = arith.constant 4798 : index
    %swap3A_114 = vector.load %arg3[%swap3A_112, %swap3A_113] : memref<2x8192xf32, #tpu.memory_space<vmem>>, vector<1x128xf32>
    %swap3A_115 = vector.shape_cast %swap3A_114 : vector<1x128xf32> to vector<128xf32>
    %swap3A_116 = vector.shape_cast %mul3A_111 : vector<128xf32> to vector<1x128xf32>
    tpu.vector_store %arg3[%swap3A_112, %swap3A_113], %swap3A_116 {strides = array<i32>} : memref<2x8192xf32, #tpu.memory_space<vmem>>, vector<1x128xf32>,
    %get3A_117 = arith.constant 6 : index
    %get3A_118 = memref.load %arg2[%get3A_117] : memref<8xf32, #tpu.memory_space<smem>>
    %max3A_119 = arith.constant 0.000000e+00 : f32
    %max3A_120 = arith.maximumf %get3A_118, %max3A_119 : f32
    %mul3A_121 = vector.broadcast %max3A_120 : f32 to vector<128xf32>
    %mul3A_122 = arith.mulf %mul3A_121, %tanh3A : vector<128xf32>
    %swap3A_123 = arith.constant 0 : index
    %swap3A_124 = arith.constant 5594 : index
    %swap3A_125 = vector.load %arg3[%swap3A_123, %swap3A_124] : memref<2x8192xf32, #tpu.memory_space<vmem>>, vector<1x128xf32>
    %swap3A_126 = vector.shape_cast %swap3A_125 : vector<1x128xf32> to vector<128xf32>
    %swap3A_127 = vector.shape_cast %mul3A_122 : vector<128xf32> to vector<1x128xf32>
    tpu.vector_store %arg3[%swap3A_123, %swap3A_124], %swap3A_127 {strides = array<i32>} : memref<2x8192xf32, #tpu.memory_space<vmem>>, vector<1x128xf32>,
    %mul3A_128 = vector.broadcast %max3A_120 : f32 to vector<128xf32>
    %mul3A_129 = arith.mulf %mul3A_128, %tanh3A_7 : vector<128xf32>
    %swap3A_130 = arith.constant 1 : index
    %swap3A_131 = arith.constant 5594 : index
    %swap3A_132 = vector.load %arg3[%swap3A_130, %swap3A_131] : memref<2x8192xf32, #tpu.memory_space<vmem>>, vector<1x128xf32>
    %swap3A_133 = vector.shape_cast %swap3A_132 : vector<1x128xf32> to vector<128xf32>
    %swap3A_134 = vector.shape_cast %mul3A_129 : vector<128xf32> to vector<1x128xf32>
    tpu.vector_store %arg3[%swap3A_130, %swap3A_131], %swap3A_134 {strides = array<i32>} : memref<2x8192xf32, #tpu.memory_space<vmem>>, vector<1x128xf32>,
    %get3A_135 = arith.constant 7 : index
    %get3A_136 = memref.load %arg2[%get3A_135] : memref<8xf32, #tpu.memory_space<smem>>
    %max3A_137 = arith.constant 0.000000e+00 : f32
    %max3A_138 = arith.maximumf %get3A_136, %max3A_137 : f32
    %mul3A_139 = vector.broadcast %max3A_138 : f32 to vector<128xf32>
    %mul3A_140 = arith.mulf %mul3A_139, %tanh3A : vector<128xf32>
    %swap3A_141 = arith.constant 0 : index
    %swap3A_142 = arith.constant 6390 : index
    %swap3A_143 = vector.load %arg3[%swap3A_141, %swap3A_142] : memref<2x8192xf32, #tpu.memory_space<vmem>>, vector<1x128xf32>
    %swap3A_144 = vector.shape_cast %swap3A_143 : vector<1x128xf32> to vector<128xf32>
    %swap3A_145 = vector.shape_cast %mul3A_140 : vector<128xf32> to vector<1x128xf32>
    tpu.vector_store %arg3[%swap3A_141, %swap3A_142], %swap3A_145 {strides = array<i32>} : memref<2x8192xf32, #tpu.memory_space<vmem>>, vector<1x128xf32>,
    %mul3A_146 = vector.broadcast %max3A_138 : f32 to vector<128xf32>
    %mul3A_147 = arith.mulf %mul3A_146, %tanh3A_7 : vector<128xf32>
    %swap3A_148 = arith.constant 1 : index
    %swap3A_149 = arith.constant 6390 : index
    %swap3A_150 = vector.load %arg3[%swap3A_148, %swap3A_149] : memref<2x8192xf32, #tpu.memory_space<vmem>>, vector<1x128xf32>
    %swap3A_151 = vector.shape_cast %swap3A_150 : vector<1x128xf32> to vector<128xf32>
    %swap3A_152 = vector.shape_cast %mul3A_147 : vector<128xf32> to vector<1x128xf32>
    tpu.vector_store %arg3[%swap3A_148, %swap3A_149], %swap3A_152 {strides = array<i32>} : memref<2x8192xf32, #tpu.memory_space<vmem>>, vector<1x128xf32>,
    return
  }
}

</mosaic_0001>

<sc_bundles>
// kernel: kernel.5.cloned.1.call-start
scs
__scs_entry_jumppad:
0x0: {  	(pc) =	sbr.rel $0x88, $3  }
0x1: {  	(tag) =	ssettag $0x0;
	lr =	simm.s32 $0x1  }
0x2: {  	[smem:$0x3F9D] =	sst lr;
	_ =	strace $0xD0000000  }
0x3: {  	_ = 	snop  }
0x4: {  	_ = 	snop  }
0x5: {  	_ = 	snop  }
0x6: {  	_ = 	snop  }
0x7: {  	_ = 	snop  }
__scs_overlays_trampoline_lowered:
0x8: {  	[smem:$0x3FAC] =	sst s0  }
0x9: {  	[smem:$0x3FAD] =	sst s1  }
0xa: {  	[smem:$0x3FAE] =	sst s2  }
0xb: {  	[smem:$0x3FAF] =	sst s3  }
0xc: {  	[smem:$0x3FB0] =	sst s4  }
0xd: {  	[smem:$0x3FB1] =	sst s5  }
0xe: {  	[smem:$0x3FB2] =	sst s6  }
0xf: {  	[smem:$0x3FB3] =	sst s7  }
0x10: {  	[smem:$0x3FB4] =	sst s8  }
0x11: {  	[smem:$0x3FB5] =	sst s9;
	s0 =	simm.s32 @!p0 $0x0  }
0x12: {  	s1 =	sld [smem:$0x3F9B];
	s0 =	simm.s32 @p0 $0x1  }
0x13: {  	[smem:$0x3FB6] =	sst s0;
	s0 =	simm.s32 @!p1 $0x0  }
0x14: {  	s2 =	sld [smem:$0x3F9A];
	s0 =	simm.s32 @p1 $0x1  }
0x15: {  	[smem:$0x3FB7] =	sst s0;
	s0 =	simm.s32 @!p2 $0x0  }
0x16: {  	s3 =	sld [smem:$0x3FDB];
	s0 =	simm.s32 @p2 $0x1  }
0x17: {  	s4 =	simm.s32 $0x1BF5;
	[smem:$0x3FB9] =	sst s0  }
0x18: {  	s0 =	sld [smem:$0x3F9C];
	_ =	swait.ge [sflag:s4], $0x0  }
0x19: {  	s7 =	sld [smem:$0x3F9D]  }
0x1a: {  	s8 =	sadd.s32 $0xFFFFE003, lr  }
0x1b: {  	s9 =	sadd.s32 $0xFFFFFEF7, lr;
	s5 =	simm.s32 $0xFFFFFFFF;
	p2 =	slt.u32 s8, $0xFFFFF086  }
0x1c: {  	p1 =	slt.u32 s9, $0xF7A;
	s5 =	simm.s32 @!p2 $0x0  }
0x1d: {  	s5 =	simm.s32 @p1 $0x1;
	p0 =	seq.s32 s7, s2  }
0x1e: {  	s7 =	smul.u32 @!p0 $0xF7A, s2;
	p2 =	seq.s32 @!p0 s5, $0x0  }
0x1f: {  	s9 =	smul.u32 $0xF7A, s1;
	s8 =	simm.s32 @!p0 $0x1BF5;
	p2 =	por !p2, p0  }
0x20: {  	[sflag:s8] =	ssyncset.s32 @!p0 $0xFFFFF086;
	s6 =	sadd.s32 @!p0 s3, s7;
	s7 =	simm.s32 @!p0 $0x108  }
0x21: {  	s3 =	sadd.s32 s3, s9;
	s6 =	sadd.s32 @!p0 $0x88, s6;
	s7 =	simm.s32 @p2 $0x1082  }
0x22: {  	[simem:s7], [sflag:s8] =	dma.local @!p0 [hbm:s6], $0xF7A  }
0x23: {  	s9 =	sor.u32 $0xD0000000, s2;
	s6 =	simm.s32 $0x108;
	_ =	swait.ge @!p0 [sflag:s8], $0x0  }
0x24: {  	s3 =	sadd.s32 $0x88, s3;
	s6 =	simm.s32 @!p1 $0x1082;
	[sflag:s4] =	ssyncset.s32 $0xFFFFF086  }
0x25: {  	[simem:s6], [sflag:s4] =	dma.local [hbm:s3], $0xF7A  }
0x26: {  	[smem:$0x3F9D] =	sst s1;
	(tag) =	ssettag s2;
	_ =	strace s9  }
0x27: {  	s1 =	sld [smem:$0x3FAD]  }
0x28: {  	s2 =	sld [smem:$0x3FAE]  }
0x29: {  	s4 =	sld [smem:$0x3FB0]  }
0x2a: {  	p0 =	seq.s32 s5, $0x0;
	s5 =	sld [smem:$0x3FB1]  }
0x2b: {  	s6 =	sld [smem:$0x3FB2]  }
0x2c: {  	s7 =	sld [smem:$0x3FB3]  }
0x2d: {  	s3 =	simm.s32 $0x108;
	s8 =	sld [smem:$0x3FB4]  }
0x2e: {  	s3 =	simm.s32 @!p0 $0x1082;
	s9 =	sld [smem:$0x3FB5]  }
0x2f: {  	lr =	sadd.s32 s0, s3;
	s0 =	sld [smem:$0x3FAC]  }
0x30: {  	s3 =	sld [smem:$0x3FAF]  }
0x31: {  	[smem:$0x3FB8] =	sst s10  }
0x32: {  	s10 =	sld [smem:$0x3FB6];
	_ =	sdelay $0x3  }
0x33: {  	p0 =	seq.s32 s10, $0x1;
	s10 =	sld [smem:$0x3FB8];
	_ =	sdelay $0x3  }
0x34: {  	[smem:$0x3FB8] =	sst s10  }
0x35: {  	s10 =	sld [smem:$0x3FB7];
	_ =	sdelay $0x3  }
0x36: {  	p1 =	seq.s32 s10, $0x1;
	s10 =	sld [smem:$0x3FB8];
	_ =	sdelay $0x3  }
0x37: {  	[smem:$0x3FB8] =	sst s10  }
0x38: {  	s10 =	sld [smem:$0x3FB9]  }
0x39: {  	_ = 	snop;
	(pc) =	sbr.ind lr, $3  }
0x3a: {  	_ = 	snop  }
0x3b: {  	_ = 	snop  }
0x3c: {  	p2 =	seq.s32 s10, $0x1;
	s10 =	sld [smem:$0x3FB8]  }
0x3d: {  	_ =	shalt  }
0x3e: {  	_ =	shalt  }
0x3f: {  	_ =	shalt  }
0x40: {  	_ =	shalt  }
0x41: {  	_ =	shalt  }
0x42: {  	_ =	shalt  }
0x43: {  	_ =	shalt  }
0x44: {  	_ =	shalt  }
0x45: {  	_ =	shalt  }
0x46: {  	_ =	shalt  }
0x47: {  	_ =	shalt  }
0x48: {  	_ =	shalt  }
0x49: {  	_ =	shalt  }
0x4a: {  	_ =	shalt  }
0x4b: {  	_ =	shalt  }
0x4c: {  	_ =	shalt  }
0x4d: {  	_ =	shalt  }
0x4e: {  	_ =	shalt  }
0x4f: {  	_ =	shalt  }
0x50: {  	_ =	shalt  }
0x51: {  	_ =	shalt  }
0x52: {  	_ =	shalt  }
0x53: {  	_ =	shalt  }
0x54: {  	_ =	shalt  }
0x55: {  	_ =	shalt  }
0x56: {  	_ =	shalt  }
0x57: {  	_ =	shalt  }
0x58: {  	_ =	shalt  }
0x59: {  	_ =	shalt  }
0x5a: {  	_ =	shalt  }
0x5b: {  	_ =	shalt  }
0x5c: {  	_ =	shalt  }
0x5d: {  	_ =	shalt  }
0x5e: {  	_ =	shalt  }
0x5f: {  	_ =	shalt  }
0x60: {  	_ =	shalt  }
0x61: {  	_ =	shalt  }
0x62: {  	_ =	shalt  }
0x63: {  	_ =	shalt  }
0x64: {  	_ =	shalt  }
0x65: {  	_ =	shalt  }
0x66: {  	_ =	shalt  }
0x67: {  	_ =	shalt  }
0x68: {  	_ =	shalt  }
0x69: {  	_ =	shalt  }
0x6a: {  	_ =	shalt  }
0x6b: {  	_ =	shalt  }
0x6c: {  	_ =	shalt  }
0x6d: {  	_ =	shalt  }
0x6e: {  	_ =	shalt  }
0x6f: {  	_ =	shalt  }
0x70: {  	_ =	shalt  }
0x71: {  	_ =	shalt  }
0x72: {  	_ =	shalt  }
0x73: {  	_ =	shalt  }
0x74: {  	_ =	shalt  }
0x75: {  	_ =	shalt  }
0x76: {  	_ =	shalt  }
0x77: {  	_ =	shalt  }
0x78: {  	_ =	shalt  }
0x79: {  	_ =	shalt  }
0x7a: {  	_ =	shalt  }
0x7b: {  	_ =	shalt  }
0x7c: {  	_ =	shalt  }
0x7d: {  	_ =	shalt  }
0x7e: {  	_ =	shalt  }
0x7f: {  	_ =	shalt  }
0x80: {  	_ =	shalt  }
0x81: {  	_ =	shalt  }
0x82: {  	_ =	shalt  }
0x83: {  	_ =	shalt  }
0x84: {  	_ =	shalt  }
0x85: {  	_ =	shalt  }
0x86: {  	_ =	shalt  }
0x87: {  	_ =	shalt  }
.Lfunc_end0:
.L_simem_size_0:
called_computation_lowered:
.L_overlay_start_0:
0x88: {  	s2 =	sld [smem:$0x3FD9]  }
0x89: {  	s3 =	sld [smem:$0x3FFE];
	_ =	sdelay $0x1  }
0x8a: {  	s1 =	srdreg.scid  }
0x8b: {  	s0 =	sand.u32 $0x1, s1  }
0x8c: {  	s17 =	sshll.u32 s0, $0xA;
	s2 =	sadd.s32 s3, s2  }
0x8d: {  	s2 =	sadd.s32 s2, s17  }
0x8e: {  	[smem:$0x3FC4] =	sst s2  }
0x8f: {  	_ = 	snop  }
0x90: {  	s2 =	sld [smem:$0x3FC9]  }
0x91: {  	s18 =	sld [smem:$0x3FD0];
	(tm) =	ssettm $0x1  }
0x92: {  	s4 =	sld [smem:$0x3FFB];
	_ =	sdelay $0x3  }
0x93: {  	_ =	strace s4  }
0x94: {  	s4 =	sld [smem:$0x3FFC];
	_ =	sdelay $0x3  }
0x95: {  	_ =	strace s4  }
0x96: {  	s4 =	sld [smem:$0x3FFD];
	_ =	sdelay $0x3  }
0x97: {  	_ =	strace s4  }
0x98: {  	_ =	strace $0x8FFFFFFF  }
0x99: {  	s19 =	sld [smem:$0x3FDB];
	_ =	sdelay $0x1  }
0x9a: {  	s5 =	simm.s32 $_scs_section_size  }
0x9b: {  	s6 =	simm.s32 $_size__tile_overlayer_lowered;
	s7 =	simm.s32 $_tile_overlayer_lowered  }
0x9c: {  	s22 =	simm.s32 $0x1BFF;
	s21 =	sshll.u32 s7, $0x1;
	s4 =	sadd.s32 s5, s19  }
0x9d: {  	s8 =	simm.s32 $0x0;
	s20 =	sshll.u32 s6, $0x1;
	s6 =	sadd.s32 s21, s4  }
0x9e: {  	[timem:s8], [sflag:s22] =	dma.local [hbm:s6], s20  }
0x9f: {  	_ =	swait.ge [sflag:s22], s20  }
0xa0: {  	s5 =	ssub.s32 $0x0, s20;
	[sflag:s22] =	ssyncset.done $0x0  }
0xa1: {  	[sflag:s22] =	ssyncadd.s32 s5;
	_ =	sdelay $0x1  }
0xa2: {  	s23 =	simm.s32 $0x1B8B  }
0xa3: {  	_ =	swait.ge [sflag:s23], $0x1  }
0xa4: {  	[sflag:s23] =	ssyncset.done $0x0  }
0xa5: {  	s25 =	simm.s32 $0x1B8E;
	s24 =	sld [smem:$0x3FFE];
	[sflag:s23] =	ssyncadd.s32 $0xFFFFFFFF  }
0xa6: {  	s26 =	simm.s32 $execute0_lowered;
	[smem:$0x3FD2] =	sst s25  }
0xa7: {  	s6 =	sshll.u32 s26, $0x1;
	_ =	strace $0x80000046;
	[dreg:$0x1] =	wrdreg $0xFFFFFFFF  }
0xa8: {  	s28 =	simm.s32 $_size_execute0_lowered;
	s4 =	sadd.s32 s4, s6;
	[dreg:$0x0] =	wrdreg $0x0  }
0xa9: {  	s6 =	sshll.u32 s28, $0x1;
	[dreg:$0x2] =	wrdreg s4  }
0xaa: {  	[dreg:$0x3] =	wrdreg s6  }
0xab: {  	[dreg:$0x4] =	wrdreg $0xC0  }
0xac: {  	_ =	task [dreg:s8], $0x5FFFF  }
0xad: {  	[dreg:$0x1] =	wrdreg $0xFFFFFFFF  }
0xae: {  	[dreg:$0x0] =	wrdreg $0x60  }
0xaf: {  	[dreg:$0x2] =	wrdreg s2  }
0xb0: {  	[dreg:$0x3] =	wrdreg s18  }
0xb1: {  	[dreg:$0x4] =	wrdreg s24  }
0xb2: {  	[dreg:$0x5] =	wrdreg $0x9  }
0xb3: {  	_ =	task.clear_ibuf [dreg:s8], $0x6FFFF;
	_ =	strace $0x90000046  }
0xb4: {  	s29 =	simm.s32 $0x9;
	_ =	strace $0x80000048  }
0xb5: {  	_ =	swait.ge [sflag:s29], $0x1  }
0xb6: {  	[sflag:s29] =	ssyncadd.s32 $0xFFFFFFFF  }
0xb7: {  	_ =	strace $0x90000048  }
0xb8: {  	_ =	sfence  }
0xb9: {  	s30 =	sld [smem:$0x0];
	_ =	sdelay $0x2  }
0xba: {  	s31 =	sshll.u32 s1, $0xD;
	s1 =	sshrl.u32 s1, $0x2  }
0xbb: {  	s3 =	sand.u32 $0x4000, s31;
	s1 =	sadd.s32 s1, s30  }
0xbc: {  	s0 =	sor.u32 s3, s0;
	s1 =	sshll.u32 s1, $0x11  }
0xbd: {  	s0 =	sor.u32 s1, s0  }
0xbe: {  	s0 =	sadd.s32 $0x8F2B, s0  }
0xbf: {  	[sflag:s0] =	ssyncadd.remote.s32 $0x1  }
0xc0: {  	_ =	sfence.sel $0xFFFF  }
0xc1: {  	[dreg:$0x0] =	wrdreg $0xFFFFFFFF;
	(pc) =	sbr.abs _section_cstart, $3  }
0xc2: {  	[dreg:$0x1] =	wrdreg $0xFFFFFFFF  }
0xc3: {  	_ =	task.clear_ibuf [dreg:s8], $0x2FFFF;
	_ =	strace $0x9FFFFFFF  }
0xc4: {  	(tm) =	ssettm $0x7FFFFFFF  }
0xc5: {  	_ =	shalt  }
tec
execute0_lowered:
.L_overlay_start_1:
0x0: {  	(tag) =	ssettag $0x1  }
0x1: {  	v0 =	vimm.s32 $0xEFCDAB89;
	v1 =	vimm.s32 $0x67452301;
	v2 =	vimm.s32 $0xDCFE98BA  }
0x2: {  	s0 =	rddreg [dreg:$0x0];
	v3 =	vimm.s32 $0x54761032;
	v4 =	vimm.s32 $0xBA98FEDC;
	v5 =	vimm.s32 $0xFEDCBA98  }
0x3: {  	s1 =	rddreg [dreg:$0x1];
	v6 =	vimm.s32 $0x32107654;
	v7 =	vimm.s32 $0x76543210;
	v0 =	vunpack.c.l.s4.s8 v0  }
0x4: {  	s6 =	rddreg [dreg:$0x2];
	s4 =	srdreg.scid;
	v1 =	vunpack.c.l.s4.s8 v1;
	v2 =	vunpack.c.l.s4.s8 v2;
	v3 =	vunpack.c.l.s4.s8 v3  }
0x5: {  	s2 =	stileid.u32;
	s3 =	rddreg [dreg:$0x3];
	s9 =	simm.s32 $0x1;
	v5 =	vunpack.c.l.s4.s8 v5;
	v4 =	vunpack.c.l.s4.s8 v4;
	v6 =	vunpack.c.l.s4.s8 v6  }
0x6: {  	s10 =	simm.s32 $0x4000;
	s5 =	sand.u32 $0x1, s4;
	s7 =	sshll.u32 s2, $0x1;
	v7 =	vunpack.c.l.s4.s8 v7;
	v0 =	vunpack.c.0.s8.s32 v0;
	v1 =	vunpack.c.0.s8.s32 v1  }
0x7: {  	s11 =	simm.s32 $0x0;
	s8 =	ssub.s32 $0x2, s5;
	s5 =	sor.u32 s5, s7;
	v2 =	vunpack.c.0.s8.s32 v2;
	v3 =	vunpack.c.0.s8.s32 v3;
	v5 =	vunpack.c.0.s8.s32 v5  }
0x8: {  	s4 =	simm.s32 $0x0;
	s31 =	sshrl.u32 s8, $0x1;
	s5 =	smul.u32 $0x5, s5;
	v4 =	vunpack.c.0.s8.s32 v4;
	v6 =	vunpack.c.0.s8.s32 v6;
	v7 =	vunpack.c.0.s8.s32 v7  }
0x9: {  	s6 =	sadd.s32 $0xE00, s6;
	[smem:$0x7FF] =	sst s4;
	s8 =	ssub.s32 s8, s31;
	v0 =	vcombine.low v1, v0;
	v1 =	vcombine.low v3, v2;
	v3 =	vand.u32 $0xF, v5  }
0xa: {  	_ =	strace $0x80000047;
	s7 =	sadd.s32 $0x360, s5;
	s8 =	smax.u32 s8, $0x1;
	v2 =	vcombine.low v6, v4;
	v3 =	vcombine.low v3, v7  }
.LBB2_1:
0xb: {  	[tilespmem:s4], [sflag:$0x1] =	stream.linear.gather [hbm4b:s1+s4], $0x4000, $0x38;
	[tilespmem:$0x8000] =	vst v63  }
0xc: {  	_ =	swait.ge [sflag:s9], $0x4000  }
0xd: {  	[sflag:s9] =	ssyncset.done $0x0  }
0xe: {  	s12 =	simm.s32 $0x0;
	[sflag:s9] =	ssyncadd.s32 $0xFFFFC000  }
.LBB2_2:
0xf: {  	s13 =	sadd.s32 s12, s7  }
0x10: {  	s13 =	sshll.u32 s13, $0xB  }
0x11: {  	s13 =	sand.u32 $0x1FFFF800, s13  }
0x12: {  	s14 =	simm.s32 $0x0;
	s13 =	sadd.s32 s0, s13  }
0x13: {  	[tilespmem:s10], [sflag:$0x1] =	stream.linear.gather [hbm4b:s13+s14], $0x4000, $0x38;
	[tilespmem:$0x8000] =	vst v63  }
0x14: {  	_ =	swait.ge [sflag:s9], $0x4000  }
0x15: {  	s30 =	sand.u32 $0x70, s14;
	s14 =	sand.u32 $0x3F00, s14;
	[sflag:s9] =	ssyncset.done $0x0  }
0x16: {  	s13 =	sor.u32 s30, s14;
	[sflag:s9] =	ssyncadd.s32 $0xFFFFC000  }
0x17: {  	v4 =	vld [tilespmem:s13+$0x4000];
	_ =	sdelay $0x1  }
0x18: {  	v5 =	vld [tilespmem:s13+$0x4080]  }
0x19: {  	s31 =	simm.s32 $0x10;
	s13 =	simm.s32 $0x20  }
0x1a: {  	s14 =	sand.u32 $0x70, s31;
	s15 =	sand.u32 $0x3F00, s13  }
0x1b: {  	s15 =	sor.u32 s14, s15;
	v6 =	vmul.f32 v4, v4  }
0x1c: {  	v7 =	vimm.f32 $0.0e+00;
	v4 =	vld [tilespmem:s15+$0x4000]  }
0x1d: {  	v6 =	vadd.f32 v6, v7;
	v7 =	vmul.f32 v5, v5  }
0x1e: {  	s14 =	simm.s32 $0x20;
	v5 =	vld [tilespmem:s15+$0x4080]  }
.LBB2_3:
0x1f: {  	s15 =	sand.u32 $0x70, s14;
	s13 =	sadd.s32 $0x20, s13;
	v6 =	vadd.f32 v7, v6;
	p0 =	sne.s32 s14, $0x1FF0  }
.Ltmp0:
0x20: {  	s14 =	sadd.s32 $0x10, s14;
	s16 =	sand.u32 $0x3F00, s13;
	(pc) =	sbr.rel @p0 .LBB2_3-.Ltmp0, $4  }
0x21: {  	s15 =	sor.u32 s15, s16;
	v7 =	vmul.f32 v4, v4  }
0x22: {  	v4 =	vld [tilespmem:s15+$0x4000]  }
0x23: {  	v6 =	vadd.f32 v7, v6;
	v7 =	vmul.f32 v5, v5  }
0x24: {  	v5 =	vld [tilespmem:s15+$0x4080]  }
0x25: {  	_ =	sdelay $0x1  }
0x26: {  	v6 =	vadd.f32 v7, v6;
	v4 =	vmul.f32 v4, v4;
	_ =	sdelay $0x1  }
0x27: {  	v4 =	vadd.f32 v4, v6;
	v5 =	vmul.f32 v5, v5;
	_ =	sdelay $0x1  }
0x28: {  	v4 =	vadd.f32 v5, v4;
	_ =	sdelay $0x1  }
0x29: {  	v5 =	vperm.xlane v4, v0;
	_ =	sdelay $0x1  }
0x2a: {  	v4 =	vadd.f32 v5, v4;
	_ =	sdelay $0x1  }
0x2b: {  	v5 =	vperm.xlane v4, v1;
	_ =	sdelay $0x1  }
0x2c: {  	v4 =	vadd.f32 v5, v4;
	_ =	sdelay $0x1  }
0x2d: {  	v5 =	vperm.xlane v4, v2;
	_ =	sdelay $0x1  }
0x2e: {  	v4 =	vadd.f32 v5, v4;
	_ =	sdelay $0x1  }
0x2f: {  	v5 =	vperm.xlane v4, v3;
	_ =	sdelay $0x1  }
0x30: {  	v4 =	vadd.f32 v5, v4;
	_ =	sdelay $0x1  }
0x31: {  	v4 =	vmul.f32 $6.103515630e-05, v4;
	_ =	sdelay $0x1  }
0x32: {  	v4 =	vadd.f32 $9.999999960e-13, v4;
	_ =	sdelay $0x1  }
0x33: {  	v5 =	vshra.s32 v4, $0x1;
	v6 =	vmul.f32 $5.000000000e-01, v4  }
0x34: {  	v5 =	vsub.s32 $0x5F3759DF, v5  }
0x35: {  	v7 =	vmul.f32 v5, v6;
	_ =	sdelay $0x1  }
0x36: {  	v7 =	vmul.f32 v5, v7;
	_ =	sdelay $0x1  }
0x37: {  	v7 =	vsub.f32 $1.500000000e+00, v7;
	_ =	sdelay $0x1  }
0x38: {  	v5 =	vmul.f32 v5, v7;
	_ =	sdelay $0x1  }
0x39: {  	v7 =	vmul.f32 v5, v6;
	_ =	sdelay $0x1  }
0x3a: {  	v7 =	vmul.f32 v7, v5;
	_ =	sdelay $0x1  }
0x3b: {  	v7 =	vsub.f32 $1.500000000e+00, v7;
	_ =	sdelay $0x1  }
0x3c: {  	v5 =	vmul.f32 v7, v5;
	_ =	sdelay $0x1  }
0x3d: {  	v7 =	vmul.f32 v5, v6;
	_ =	sdelay $0x1  }
0x3e: {  	v7 =	vmul.f32 v7, v5;
	_ =	sdelay $0x1  }
0x3f: {  	v7 =	vsub.f32 $1.500000000e+00, v7;
	_ =	sdelay $0x1  }
0x40: {  	v5 =	vmul.f32 v7, v5;
	_ =	sdelay $0x1  }
0x41: {  	v6 =	vmul.f32 v5, v6;
	_ =	sdelay $0x1  }
0x42: {  	s13 =	simm.s32 $0x0;
	v6 =	vmul.f32 v6, v5  }
0x43: {  	s14 =	sand.u32 $0x70, s13;
	s13 =	sand.u32 $0x3F00, s13  }
0x44: {  	s13 =	sor.u32 s14, s13;
	v6 =	vsub.f32 $1.500000000e+00, v6  }
0x45: {  	v7 =	vld [tilespmem:s13+$0x0]  }
0x46: {  	v4 =	vmul.f32 $7.999999820e-02, v4;
	v5 =	vmul.f32 v6, v5;
	v6 =	vld [tilespmem:s13+$0x80]  }
0x47: {  	v8 =	vld [tilespmem:s13+$0x4000]  }
0x48: {  	v4 =	vmul.f32 v5, v4;
	v5 =	vld [tilespmem:s13+$0x4080];
	_ =	sdelay $0x1  }
0x49: {  	s15 =	simm.s32 $0x10;
	s14 =	simm.s32 $0x20;
	v7 =	vmul.f32 v7, v4  }
0x4a: {  	s15 =	sand.u32 $0x70, s15;
	s16 =	sand.u32 $0x3F00, s14;
	v6 =	vmul.f32 v6, v4  }
0x4b: {  	s15 =	sor.u32 s15, s16;
	s16 =	simm.s32 $0x20;
	v7 =	vadd.f32 v7, v8  }
.LBB2_5:
0x4c: {  	p0 =	sne.s32 s16, $0x1FF0;
	v8 =	vld [tilespmem:s15+$0x0];
	v5 =	vadd.f32 v6, v5  }
0x4d: {  	v6 =	vld [tilespmem:s15+$0x80];
	[tilespmem:s13+$0x4000] =	vst v7  }
0x4e: {  	v7 =	vld [tilespmem:s15+$0x4000];
	[tilespmem:s13+$0x4080] =	vst v5;
	s13 =	smov.u32 s15  }
.Ltmp1:
0x4f: {  	v5 =	vld [tilespmem:s13+$0x4080];
	(pc) =	sbr.rel @p0 .LBB2_5-.Ltmp1, $4  }
0x50: {  	_ = 	snop  }
0x51: {  	s14 =	sadd.s32 $0x20, s14;
	v8 =	vmul.f32 v8, v4  }
0x52: {  	s17 =	sand.u32 $0x3F00, s14;
	s15 =	sand.u32 $0x70, s16;
	v6 =	vmul.f32 v6, v4  }
0x53: {  	s16 =	sadd.s32 $0x10, s16;
	s15 =	sor.u32 s15, s17;
	v7 =	vadd.f32 v8, v7  }
0x54: {  	v8 =	vld [tilespmem:s15+$0x0];
	v5 =	vadd.f32 v6, v5  }
0x55: {  	v62 =	vld [tilespmem:s15+$0x80];
	[tilespmem:s13+$0x4000] =	vst v7  }
0x56: {  	v7 =	vld [tilespmem:s15+$0x4000];
	[tilespmem:s13+$0x4080] =	vst v5  }
0x57: {  	v5 =	vld [tilespmem:s15+$0x4080];
	_ =	sdelay $0x1  }
0x58: {  	v8 =	vmul.f32 v8, v4  }
0x59: {  	v4 =	vmul.f32 v62, v4  }
0x5a: {  	v63 =	vadd.f32 v8, v7  }
0x5b: {  	s31 =	sadd.s32 s5, s12;
	s12 =	sadd.s32 $0x1, s12;
	v4 =	vadd.f32 v4, v5  }
0x5c: {  	p0 =	sne.s32 s12, $0x5;
	s13 =	sshll.u32 s31, $0xB;
	[tilespmem:s15+$0x4000] =	vst v63  }
.Ltmp2:
0x5d: {  	s13 =	sadd.s32 s6, s13;
	[tilespmem:s15+$0x4080] =	vst v4;
	(pc) =	sbr.rel @p0 .LBB2_2-.Ltmp2, $4  }
0x5e: {  	[hbm4b:s13+s4] =	stream.linear.scatter [tilespmem:s10], [sflag:$0x1], $0x4000, $0x38;
	[tilespmem:$0x8000] =	vst v63  }
0x5f: {  	_ =	swait.ge [sflag:s9], $0x4000  }
0x60: {  	[sflag:s9] =	ssyncset.done $0x0  }
0x61: {  	[sflag:s9] =	ssyncadd.s32 $0xFFFFC000  }
0x62: {  	s11 =	sadd.s32 $0x1, s11  }
0x63: {  	p0 =	sne.s32 s11, s8  }
.Ltmp3:
0x64: {  	_ = 	snop;
	(pc) =	sbr.rel @p0 .LBB2_1-.Ltmp3, $1  }
0x65: {  	_ =	sdelay $0x3  }
0x66: {  	_ =	sfence.sel $0x180000  }
0x67: {  	[bflag:$0x0] =	sbarrier.arrive $0xFFFF  }
0x68: {  	p0 =	sne.s32 s2, $0x0;
	_ =	strace $0x90000047  }
0x69: {  	s0 =	sadd.s32 @!p0 $0x100000, s3;
	[bflag:$0x2] =	sbarrier.arrive $0xFFFF  }
0x6a: {  	[sflag:s0] =	ssyncadd.tile.s32 @!p0 $0x1;
	_ =	shalt  }
.Lfunc_end2:
_tile_overlayer_lowered:
.L_overlay_start_2:
0x6b: {  	(tag) =	ssettag $0x2  }
0x6c: {  	s0 =	rddreg [dreg:$0x0];
	s2 =	stileid.u32  }
0x6d: {  	s1 =	rddreg [dreg:$0x1];
	p0 =	sne.s32 s2, $0x0  }
0x6e: {  	s3 =	rddreg [dreg:$0x2];
	[bflag:$0x3] =	sbarrier.arrive $0xFFFF;
	s2 =	simm.s32 @!p0 $0x1C01  }
0x6f: {  	[timem:s3], [sflag:s2] =	dma.local @!p0 [hbm:s0], s1  }
0x70: {  	s0 =	simm.s32 @!p0 $0x1  }
0x71: {  	_ =	swait.ge @!p0 [sflag:s0], s1  }
0x72: {  	s1 =	ssub.s32 @!p0 $0x0, s1;
	[sflag:s0] =	ssyncset.done @!p0 $0x0  }
0x73: {  	[sflag:s0] =	ssyncadd.s32 @!p0 s1  }
0x74: {  	[bflag:$0x3] =	sbarrier.arrive $0xFFFF  }
0x75: {  	_ =	shalt  }

</sc_bundles>
